<compile_context>
chip_gen: v7x
topology: tpu7x:2x2x1
jax: 0.10.2.dev20260603
libtpu: 0.0.44.dev20260713+nightly
codegen_flags: <defaults>
</compile_context>

<pallas_src>
import functools

import jax
import jax.numpy as jnp
from jax import lax
from jax.experimental import pallas as pl
from jax.experimental.pallas import tpu as pltpu
from jax.experimental.pallas import tpu_sc as plsc

_D = 64
_BETA = 0.25
_BM = 256
_BN = 512
_TILE = 4096


def _vq_argmin_body(zsq_ref, esq_ref, z_ref, emb_ref, idx_ref, loss_ref,
                    bval_ref, bidx_ref, cval_ref, cidx_ref, craw_ref):
    i = pl.program_id(0)
    j = pl.program_id(1)
    nj = pl.num_programs(1)
    jt = _TILE // _BN

    @pl.when(j % jt == 0)
    def _init():
        bval_ref[...] = jnp.full_like(bval_ref, jnp.inf)
        bidx_ref[...] = jnp.zeros_like(bidx_ref)

    zt = z_ref[...]
    zsq = zsq_ref[...]
    esq = esq_ref[...]
    lane = lax.broadcasted_iota(jnp.int32, (zt.shape[0], 128), 1).astype(
        jnp.float32)
    bv = bval_ref[...]
    bi = bidx_ref[...]
    for c in range(_BN // 128):
        dot = lax.dot_general(zt, emb_ref[pl.ds(c * 128, 128), :],
                              (((1,), (1,)), ((), ())),
                              preferred_element_type=jnp.float32)
        cand = (zsq + esq[:, c * 128:(c + 1) * 128]) - 2.0 * dot
        ci = lane + (j * _BN + c * 128).astype(jnp.float32)
        better = cand < bv
        bi = jnp.where(better, ci, bi)
        bv = jnp.where(better, cand, bv)
    bval_ref[...] = bv
    bidx_ref[...] = bi

    @pl.when(j % jt == jt - 1)
    def _tile_end():
        gm = jnp.min(bv, axis=1, keepdims=True)
        gi = jnp.min(jnp.where(bv == gm, bi, jnp.float32(1e9)),
                     axis=1, keepdims=True)
        gmr = gm.astype(jnp.bfloat16).astype(jnp.float32)

        @pl.when(j == jt - 1)
        def _first_tile():
            cval_ref[...] = gmr
            cidx_ref[...] = gi
            craw_ref[...] = gm

        @pl.when(j > jt - 1)
        def _combine():
            take = gm < cval_ref[...]
            cval_ref[...] = jnp.where(take, gmr, cval_ref[...])
            cidx_ref[...] = jnp.where(take, gi, cidx_ref[...])
            craw_ref[...] = jnp.where(take, gm, craw_ref[...])

    @pl.when(j == nj - 1)
    def _finish():
        idx_ref[...] = cidx_ref[...].astype(jnp.int32)
        ssum = jnp.sum(craw_ref[...]).reshape(1, 1)

        @pl.when(i == 0)
        def _first():
            loss_ref[...] = ssum

        @pl.when(i > 0)
        def _rest():
            loss_ref[...] = loss_ref[...] + ssum


def _argmin_tc(z_flat, emb_weight, zsq, esq):
    m = z_flat.shape[0]
    n = emb_weight.shape[0]
    grid = (m // _BM, n // _BN)
    return pl.pallas_call(
        _vq_argmin_body,
        grid=grid,
        in_specs=[
            pl.BlockSpec((_BM, 1), lambda i, j: (i, 0)),
            pl.BlockSpec((1, _BN), lambda i, j: (0, j)),
            pl.BlockSpec((_BM, _D), lambda i, j: (i, 0)),
            pl.BlockSpec((_BN, _D), lambda i, j: (j, 0)),
        ],
        out_specs=[
            pl.BlockSpec((_BM, 1), lambda i, j: (i, 0)),
            pl.BlockSpec((1, 1), lambda i, j: (0, 0)),
        ],
        out_shape=[
            jax.ShapeDtypeStruct((m, 1), jnp.int32),
            jax.ShapeDtypeStruct((1, 1), jnp.float32),
        ],
        scratch_shapes=[
            pltpu.VMEM((_BM, 128), jnp.float32),
            pltpu.VMEM((_BM, 128), jnp.float32),
            pltpu.VMEM((_BM, 1), jnp.float32),
            pltpu.VMEM((_BM, 1), jnp.float32),
            pltpu.VMEM((_BM, 1), jnp.float32),
        ],
        compiler_params=pltpu.CompilerParams(
            dimension_semantics=("arbitrary", "arbitrary")),
    )(zsq, esq, z_flat, emb_weight)


def _gather_sc(table_pad, idx_flat):
    m = idx_flat.shape[0]
    dp = table_pad.shape[1]
    nc, ns = 2, 16
    nw = nc * ns
    bpw = m // nw
    mesh = plsc.VectorSubcoreMesh(core_axis_name="c", subcore_axis_name="s")

    @functools.partial(
        pl.kernel,
        mesh=mesh,
        out_type=jax.ShapeDtypeStruct((m, dp), jnp.float32),
        scratch_types=[
            pltpu.VMEM((bpw,), jnp.int32),
            pltpu.VMEM((bpw, dp), jnp.float32),
            pltpu.SemaphoreType.DMA,
        ],
    )
    def gk(table_hbm, idx_hbm, out_hbm, idx_v, rows_v, sem):
        wid = lax.axis_index("s") * nc + lax.axis_index("c")
        base = wid * bpw
        pltpu.sync_copy(idx_hbm.at[pl.ds(base, bpw)], idx_v)
        pltpu.async_copy(table_hbm.at[idx_v], rows_v, sem).wait()
        pltpu.sync_copy(rows_v, out_hbm.at[pl.ds(base, bpw)])

    return gk(table_pad, idx_flat)


def kernel(z, emb_weight):
    z = z.astype(jnp.float32)
    z_p = jnp.transpose(z, (0, 2, 3, 1))
    z_flat = z_p.reshape(-1, emb_weight.shape[1])
    zsq = jnp.sum(z_flat ** 2, axis=1, keepdims=True)
    esq = jnp.sum(emb_weight ** 2, axis=1).reshape(1, -1)

    idx2, loss_sum = _argmin_tc(z_flat, emb_weight, zsq, esq)
    min_indices = idx2.reshape(-1)

    table_pad = jnp.pad(emb_weight, ((0, 0), (0, 128 - _D)))
    z_q = _gather_sc(table_pad, min_indices)[:, :_D].reshape(z_p.shape)

    mean_sq = loss_sum[0, 0] / jnp.float32(z_flat.size)
    loss = mean_sq + _BETA * mean_sq

    z_q_st = z_p + lax.stop_gradient(z_q - z_p)
    z_q_out = jnp.transpose(z_q_st, (0, 3, 1, 2))
    return (z_q_out, loss, min_indices)

# --- scband reference (transcript-rebuilt; emitter-appended) ---
"""Pipeline reference for scband-vector-quantizer2-31267361915590 (READ-ONLY COPY).

The authoritative reference and input builder live on the scoring server;
editing this copy changes nothing except your own understanding.
"""

import jax, jax.numpy as jnp
import numpy as np

N_E = 8192
E_DIM = 64
BETA = 0.25


def setup_inputs(seed: int = 0) -> dict:
    key = jax.random.key(seed)
    k1, k2 = jax.random.split(key)
    z = jax.random.normal(k1, (8, 64, 32, 32), dtype=jnp.float32)
    emb_weight = jax.random.uniform(
        k2, (N_E, E_DIM), dtype=jnp.float32,
        minval=-1.0 / N_E, maxval=1.0 / N_E
    )
    return {"z": z, "emb_weight": emb_weight}


def reference(z, emb_weight):
    # z: [b, c, h, w] -> [b, h, w, c]
    z = z.astype(jnp.float32)
    z_p = jnp.transpose(z, (0, 2, 3, 1))
    z_flat = z_p.reshape(-1, emb_weight.shape[1])
    # squared L2 distances to all codebook entries
    d = (jnp.sum(z_flat ** 2, axis=1, keepdims=True)
         + jnp.sum(emb_weight ** 2, axis=1)
         - 2.0 * jnp.einsum('bd,nd->bn', z_flat, emb_weight))
    min_indices = jnp.argmin(d, axis=1)
    z_q = jnp.take(emb_weight, min_indices, axis=0).reshape(z_p.shape)
    # legacy commitment loss
    loss = (jnp.mean((jax.lax.stop_gradient(z_q) - z_p) ** 2)
            + BETA * jnp.mean((z_q - jax.lax.stop_gradient(z_p)) ** 2))
    # straight-through estimator
    z_q_st = z_p + jax.lax.stop_gradient(z_q - z_p)
    z_q_out = jnp.transpose(z_q_st, (0, 3, 1, 2))
    return (z_q_out, loss, min_indices)

if __name__ == "__main__":
    import jax
    _d = setup_inputs()
    print(jax.jit(kernel)(*tuple(_d.values())))

</pallas_src>

<mosaic_0001>
#map = affine_map<(d0, d1) -> (0, 0)>
#map1 = affine_map<(d0, d1) -> (0)>
module attributes {stable_mosaic.version = 14 : i64} {
  func.func @gk(%arg0: i32, %arg1: i32, %arg2: memref<8192x128xf32, #tpu.memory_space<hbm>>, %arg3: memref<8192xi32, #tpu.memory_space<hbm>>, %arg4: memref<8192x128xf32, #tpu.memory_space<hbm>>, %arg5: memref<256xi32, #tpu.memory_space<vmem>>, %arg6: memref<256x128xf32, #tpu.memory_space<vmem>>, %arg7: memref<!tpu.dma_semaphore, #tpu.memory_space<semaphore_mem>>) attributes {dimension_semantics = [#tpu.dimension_semantics<core_parallel>, #tpu.dimension_semantics<subcore_parallel>], iteration_bounds = array<i64: 2, 16>, scalar_prefetch = 0 : i64, scratch_operands = 3 : i64, tpu.core_type = #tpu.core_type<sc_vector_subcore>, window_params = [{transform_indices = #map}, {transform_indices = #map1}, {transform_indices = #map}]} {
    %mul3A = arith.constant 2 : i32
    %mul3A_0 = arith.muli %arg1, %mul3A : i32
    %add3A = arith.addi %mul3A_0, %arg0 : i32
    %mul3A_1 = arith.constant 256 : i32
    %mul3A_2 = arith.muli %add3A, %mul3A_1 : i32
    "tpu.region"() ({
      %run_scoped3A = tpu.sem_alloc : memref<!tpu.dma_semaphore, #tpu.memory_space<semaphore_mem>>
      %dma_start3A_7 = tpu.memref_slice %arg3[%mul3A_2] : memref<8192xi32, #tpu.memory_space<hbm>> -> memref<256xi32, #tpu.memory_space<hbm>>
      %dma_start3A_8 = tpu.memref_slice %arg3[%mul3A_2] : memref<8192xi32, #tpu.memory_space<hbm>> -> memref<256xi32, #tpu.memory_space<hbm>>
      tpu.enqueue_dma source(%dma_start3A_8 : memref<256xi32, #tpu.memory_space<hbm>>) target(%arg5 : memref<256xi32, #tpu.memory_space<vmem>>) target_semaphore(%run_scoped3A : memref<!tpu.dma_semaphore, #tpu.memory_space<semaphore_mem>>)
      %dma_wait3A_9 = tpu.memref_slice %arg3[%mul3A_2] : memref<8192xi32, #tpu.memory_space<hbm>> -> memref<256xi32, #tpu.memory_space<hbm>>
      %dma_wait3A_10 = tpu.memref_slice %arg3[%mul3A_2] : memref<8192xi32, #tpu.memory_space<hbm>> -> memref<256xi32, #tpu.memory_space<hbm>>
      tpu.wait_dma2 semaphore(%run_scoped3A : memref<!tpu.dma_semaphore, #tpu.memory_space<semaphore_mem>>) src(%dma_wait3A_10 : memref<256xi32, #tpu.memory_space<hbm>>) dst(%arg5 : memref<256xi32, #tpu.memory_space<vmem>>)
      tpu.yield
    }) : () -> ()
    %dma_start3A = arith.constant 0 : i32
    %dma_start3A_3 = arith.constant 0 : i32
    %dma_start3A_4 = tpu.memref_slice %arg2[%dma_start3A, %dma_start3A_3] : memref<8192x128xf32, #tpu.memory_space<hbm>> -> memref<8192x128xf32, #tpu.memory_space<hbm>>
    tpu.enqueue_indirect_dma source(%dma_start3A_4 : memref<8192x128xf32, #tpu.memory_space<hbm>>) target(%arg6 : memref<256x128xf32, #tpu.memory_space<vmem>>) offsets(%arg5 : memref<256xi32, #tpu.memory_space<vmem>>) semaphore(%arg7 : memref<!tpu.dma_semaphore, #tpu.memory_space<semaphore_mem>>)
    %dma_wait3A = arith.constant 0 : i32
    %dma_wait3A_5 = arith.constant 0 : i32
    %dma_wait3A_6 = tpu.memref_slice %arg2[%dma_wait3A, %dma_wait3A_5] : memref<8192x128xf32, #tpu.memory_space<hbm>> -> memref<8192x128xf32, #tpu.memory_space<hbm>>
    tpu.wait_indirect_dma semaphore(%arg7 : memref<!tpu.dma_semaphore, #tpu.memory_space<semaphore_mem>>) src(%dma_wait3A_6 : memref<8192x128xf32, #tpu.memory_space<hbm>>) dst(%arg6 : memref<256x128xf32, #tpu.memory_space<vmem>>)
    "tpu.region"() ({
      %run_scoped3A = tpu.sem_alloc : memref<!tpu.dma_semaphore, #tpu.memory_space<semaphore_mem>>
      %dma_start3A_7 = arith.constant 0 : i32
      %dma_start3A_8 = tpu.memref_slice %arg4[%mul3A_2, %dma_start3A_7] : memref<8192x128xf32, #tpu.memory_space<hbm>> -> memref<256x128xf32, #tpu.memory_space<hbm>>
      %dma_start3A_9 = arith.constant 0 : i32
      %dma_start3A_10 = tpu.memref_slice %arg4[%mul3A_2, %dma_start3A_9] : memref<8192x128xf32, #tpu.memory_space<hbm>> -> memref<256x128xf32, #tpu.memory_space<hbm>>
      tpu.enqueue_dma source(%arg6 : memref<256x128xf32, #tpu.memory_space<vmem>>) target(%dma_start3A_10 : memref<256x128xf32, #tpu.memory_space<hbm>>) target_semaphore(%run_scoped3A : memref<!tpu.dma_semaphore, #tpu.memory_space<semaphore_mem>>)
      %dma_wait3A_11 = arith.constant 0 : i32
      %dma_wait3A_12 = tpu.memref_slice %arg4[%mul3A_2, %dma_wait3A_11] : memref<8192x128xf32, #tpu.memory_space<hbm>> -> memref<256x128xf32, #tpu.memory_space<hbm>>
      %dma_wait3A_13 = arith.constant 0 : i32
      %dma_wait3A_14 = tpu.memref_slice %arg4[%mul3A_2, %dma_wait3A_13] : memref<8192x128xf32, #tpu.memory_space<hbm>> -> memref<256x128xf32, #tpu.memory_space<hbm>>
      tpu.wait_dma2 semaphore(%run_scoped3A : memref<!tpu.dma_semaphore, #tpu.memory_space<semaphore_mem>>) src(%arg6 : memref<256x128xf32, #tpu.memory_space<vmem>>) dst(%dma_wait3A_14 : memref<256x128xf32, #tpu.memory_space<hbm>>)
      tpu.yield
    }) : () -> ()
    return
  }
}

module attributes {stable_mosaic.version = 14 : i64} {
  func.func @_vq_argmin_body(%arg0: i32, %arg1: i32, %arg2: memref<256x1xf32, #tpu.memory_space<vmem>>, %arg3: memref<1x512xf32, #tpu.memory_space<vmem>>, %arg4: memref<256x64xf32, #tpu.memory_space<vmem>>, %arg5: memref<512x64xf32, #tpu.memory_space<vmem>>, %arg6: memref<256x1xi32, #tpu.memory_space<vmem>>, %arg7: memref<1x1xf32, #tpu.memory_space<vmem>>, %arg8: memref<256x128xf32, #tpu.memory_space<vmem>>, %arg9: memref<256x128xf32, #tpu.memory_space<vmem>>, %arg10: memref<256x1xf32, #tpu.memory_space<vmem>>, %arg11: memref<256x1xf32, #tpu.memory_space<vmem>>, %arg12: memref<256x1xf32, #tpu.memory_space<vmem>>) attributes {dimension_semantics = [#tpu.dimension_semantics<arbitrary>, #tpu.dimension_semantics<arbitrary>], iteration_bounds = array<i64: 32, 16>, scalar_prefetch = 0 : i64, scratch_operands = 5 : i64, tpu.core_type = #tpu.core_type<tc>, window_params = [{transform_indices = @transform_0, window_bounds = array<i64: 256, 1>}, {transform_indices = @transform_1, window_bounds = array<i64: 1, 512>}, {transform_indices = @transform_2, window_bounds = array<i64: 256, 64>}, {transform_indices = @transform_3, window_bounds = array<i64: 512, 64>}, {transform_indices = @transform_4, window_bounds = array<i64: 256, 1>}, {pipeline_mode = #tpu.pipeline_mode<synchronous>, transform_indices = @transform_5, window_bounds = array<i64: 1, 1>}]} {
    %jit3A = arith.constant 8 : i32
    %eq3A = arith.constant 0 : i32
    %eq3A_0 = arith.cmpi eq, %jit3A, %eq3A : i32
    %jit3A_1 = arith.constant 1 : i32
    %select_n3A = arith.select %eq3A_0, %jit3A_1, %jit3A : i32
    %rem3A = arith.remsi %arg1, %select_n3A : i32
    %ne3A = arith.constant 0 : i32
    %ne3A_2 = arith.cmpi ne, %rem3A, %ne3A : i32
    %lt3A = arith.constant 0 : i32
    %lt3A_3 = arith.cmpi slt, %rem3A, %lt3A : i32
    %lt3A_4 = arith.constant 0 : i32
    %lt3A_5 = arith.cmpi slt, %select_n3A, %lt3A_4 : i32
    %ne3A_6 = arith.xori %lt3A_3, %lt3A_5 : i1
    %and3A = arith.andi %ne3A_6, %ne3A_2 : i1
    %add3A = arith.addi %rem3A, %select_n3A : i32
    %select_n3A_7 = arith.select %and3A, %add3A, %rem3A : i32
    %eq3A_8 = arith.constant 0 : i32
    %eq3A_9 = arith.cmpi eq, %select_n3A_7, %eq3A_8 : i32
    %convert_element_type3A = arith.extui %eq3A_9 : i1 to i32
    %cond3A = arith.constant 0 : i32
    %cond3A_10 = arith.cmpi ne, %convert_element_type3A, %cond3A : i32
    scf.if %cond3A_10 {
      %broadcast_in_dim3A = arith.constant 0x7F800000 : f32
      %broadcast_in_dim3A_145 = vector.broadcast %broadcast_in_dim3A : f32 to vector<256x128xf32>
      %swap3A_146 = arith.constant 0 : index
      %swap3A_147 = arith.constant 0 : index
      %swap3A_148 = vector.load %arg8[%swap3A_146, %swap3A_147] : memref<256x128xf32, #tpu.memory_space<vmem>>, vector<256x128xf32>
      tpu.vector_store %arg8[%swap3A_146, %swap3A_147], %broadcast_in_dim3A_145 {strides = array<i32>} : memref<256x128xf32, #tpu.memory_space<vmem>>, vector<256x128xf32>,
      %broadcast_in_dim3A_149 = arith.constant 0.000000e+00 : f32
      %broadcast_in_dim3A_150 = vector.broadcast %broadcast_in_dim3A_149 : f32 to vector<256x128xf32>
      %swap3A_151 = arith.constant 0 : index
      %swap3A_152 = arith.constant 0 : index
      %swap3A_153 = vector.load %arg9[%swap3A_151, %swap3A_152] : memref<256x128xf32, #tpu.memory_space<vmem>>, vector<256x128xf32>
      tpu.vector_store %arg9[%swap3A_151, %swap3A_152], %broadcast_in_dim3A_150 {strides = array<i32>} : memref<256x128xf32, #tpu.memory_space<vmem>>, vector<256x128xf32>,
    } else {
    }
    %get3A = arith.constant 0 : index
    %get3A_11 = arith.constant 0 : index
    %get3A_12 = vector.load %arg4[%get3A, %get3A_11] : memref<256x64xf32, #tpu.memory_space<vmem>>, vector<256x64xf32>
    %get3A_13 = arith.constant 0 : index
    %get3A_14 = arith.constant 0 : index
    %get3A_15 = vector.load %arg2[%get3A_13, %get3A_14] : memref<256x1xf32, #tpu.memory_space<vmem>>, vector<256x1xf32>
    %get3A_16 = arith.constant 0 : index
    %get3A_17 = arith.constant 0 : index
    %get3A_18 = vector.load %arg3[%get3A_16, %get3A_17] : memref<1x512xf32, #tpu.memory_space<vmem>>, vector<1x512xf32>
    %iota3A = tpu.iota {dimensions = array<i32: 1>} : vector<256x128xi32>
    %convert_element_type3A_19 = arith.sitofp %iota3A : vector<256x128xi32> to vector<256x128xf32>
    %get3A_20 = arith.constant 0 : index
    %get3A_21 = arith.constant 0 : index
    %get3A_22 = vector.load %arg8[%get3A_20, %get3A_21] : memref<256x128xf32, #tpu.memory_space<vmem>>, vector<256x128xf32>
    %get3A_23 = arith.constant 0 : index
    %get3A_24 = arith.constant 0 : index
    %get3A_25 = vector.load %arg9[%get3A_23, %get3A_24] : memref<256x128xf32, #tpu.memory_space<vmem>>, vector<256x128xf32>
    %get3A_26 = arith.constant 0 : index
    %get3A_27 = arith.constant 0 : index
    %get3A_28 = vector.load %arg5[%get3A_26, %get3A_27] : memref<512x64xf32, #tpu.memory_space<vmem>>, vector<128x64xf32>
    %dot_general3A = arith.constant dense<0.000000e+00> : vector<256x128xf32>
    %dot_general3A_29 = tpu.matmul %get3A_12, %get3A_28, %dot_general3A {dimension_numbers = #tpu.dot_dimension_numbers<[1], [1], [0], [0], [0, 0, 1, 0], [], []>, transpose_lhs_hint = false} : vector<256x64xf32>, vector<128x64xf32>, vector<256x128xf32> -> vector<256x128xf32>
    %slice3A = vector.extract_strided_slice %get3A_18 {offsets = [0, 0], sizes = [1, 128], strides = [1, 1]} : vector<1x512xf32> to vector<1x128xf32>
    %add3A_30 = vector.broadcast %get3A_15 : vector<256x1xf32> to vector<256x128xf32>
    %add3A_31 = vector.broadcast %slice3A : vector<1x128xf32> to vector<256x128xf32>
    %add3A_32 = arith.addf %add3A_30, %add3A_31 : vector<256x128xf32>
    %mul3A = arith.constant 2.000000e+00 : f32
    %mul3A_33 = vector.broadcast %mul3A : f32 to vector<256x128xf32>
    %mul3A_34 = arith.mulf %mul3A_33, %dot_general3A_29 : vector<256x128xf32>
    %sub3A = arith.subf %add3A_32, %mul3A_34 : vector<256x128xf32>
    %mul3A_35 = arith.constant 512 : i32
    %mul3A_36 = arith.muli %arg1, %mul3A_35 : i32
    %add3A_37 = arith.constant 0 : i32
    %add3A_38 = arith.addi %mul3A_36, %add3A_37 : i32
    %convert_element_type3A_39 = arith.sitofp %add3A_38 : i32 to f32
    %add3A_40 = vector.broadcast %convert_element_type3A_39 : f32 to vector<256x128xf32>
    %add3A_41 = arith.addf %convert_element_type3A_19, %add3A_40 : vector<256x128xf32>
    %lt3A_42 = arith.cmpf olt, %sub3A, %get3A_22 : vector<256x128xf32>
    %select_n3A_43 = arith.select %lt3A_42, %add3A_41, %get3A_25 : vector<256x128xi1>, vector<256x128xf32>
    %select_n3A_44 = arith.select %lt3A_42, %sub3A, %get3A_22 : vector<256x128xi1>, vector<256x128xf32>
    %get3A_45 = arith.constant 128 : index
    %get3A_46 = arith.constant 0 : index
    %get3A_47 = vector.load %arg5[%get3A_45, %get3A_46] : memref<512x64xf32, #tpu.memory_space<vmem>>, vector<128x64xf32>
    %dot_general3A_48 = arith.constant dense<0.000000e+00> : vector<256x128xf32>
    %dot_general3A_49 = tpu.matmul %get3A_12, %get3A_47, %dot_general3A_48 {dimension_numbers = #tpu.dot_dimension_numbers<[1], [1], [0], [0], [0, 0, 1, 0], [], []>, transpose_lhs_hint = false} : vector<256x64xf32>, vector<128x64xf32>, vector<256x128xf32> -> vector<256x128xf32>
    %slice3A_50 = vector.extract_strided_slice %get3A_18 {offsets = [0, 128], sizes = [1, 128], strides = [1, 1]} : vector<1x512xf32> to vector<1x128xf32>
    %add3A_51 = vector.broadcast %get3A_15 : vector<256x1xf32> to vector<256x128xf32>
    %add3A_52 = vector.broadcast %slice3A_50 : vector<1x128xf32> to vector<256x128xf32>
    %add3A_53 = arith.addf %add3A_51, %add3A_52 : vector<256x128xf32>
    %mul3A_54 = arith.constant 2.000000e+00 : f32
    %mul3A_55 = vector.broadcast %mul3A_54 : f32 to vector<256x128xf32>
    %mul3A_56 = arith.mulf %mul3A_55, %dot_general3A_49 : vector<256x128xf32>
    %sub3A_57 = arith.subf %add3A_53, %mul3A_56 : vector<256x128xf32>
    %mul3A_58 = arith.constant 512 : i32
    %mul3A_59 = arith.muli %arg1, %mul3A_58 : i32
    %add3A_60 = arith.constant 128 : i32
    %add3A_61 = arith.addi %mul3A_59, %add3A_60 : i32
    %convert_element_type3A_62 = arith.sitofp %add3A_61 : i32 to f32
    %add3A_63 = vector.broadcast %convert_element_type3A_62 : f32 to vector<256x128xf32>
    %add3A_64 = arith.addf %convert_element_type3A_19, %add3A_63 : vector<256x128xf32>
    %lt3A_65 = arith.cmpf olt, %sub3A_57, %select_n3A_44 : vector<256x128xf32>
    %select_n3A_66 = arith.select %lt3A_65, %add3A_64, %select_n3A_43 : vector<256x128xi1>, vector<256x128xf32>
    %select_n3A_67 = arith.select %lt3A_65, %sub3A_57, %select_n3A_44 : vector<256x128xi1>, vector<256x128xf32>
    %get3A_68 = arith.constant 256 : index
    %get3A_69 = arith.constant 0 : index
    %get3A_70 = vector.load %arg5[%get3A_68, %get3A_69] : memref<512x64xf32, #tpu.memory_space<vmem>>, vector<128x64xf32>
    %dot_general3A_71 = arith.constant dense<0.000000e+00> : vector<256x128xf32>
    %dot_general3A_72 = tpu.matmul %get3A_12, %get3A_70, %dot_general3A_71 {dimension_numbers = #tpu.dot_dimension_numbers<[1], [1], [0], [0], [0, 0, 1, 0], [], []>, transpose_lhs_hint = false} : vector<256x64xf32>, vector<128x64xf32>, vector<256x128xf32> -> vector<256x128xf32>
    %slice3A_73 = vector.extract_strided_slice %get3A_18 {offsets = [0, 256], sizes = [1, 128], strides = [1, 1]} : vector<1x512xf32> to vector<1x128xf32>
    %add3A_74 = vector.broadcast %get3A_15 : vector<256x1xf32> to vector<256x128xf32>
    %add3A_75 = vector.broadcast %slice3A_73 : vector<1x128xf32> to vector<256x128xf32>
    %add3A_76 = arith.addf %add3A_74, %add3A_75 : vector<256x128xf32>
    %mul3A_77 = arith.constant 2.000000e+00 : f32
    %mul3A_78 = vector.broadcast %mul3A_77 : f32 to vector<256x128xf32>
    %mul3A_79 = arith.mulf %mul3A_78, %dot_general3A_72 : vector<256x128xf32>
    %sub3A_80 = arith.subf %add3A_76, %mul3A_79 : vector<256x128xf32>
    %mul3A_81 = arith.constant 512 : i32
    %mul3A_82 = arith.muli %arg1, %mul3A_81 : i32
    %add3A_83 = arith.constant 256 : i32
    %add3A_84 = arith.addi %mul3A_82, %add3A_83 : i32
    %convert_element_type3A_85 = arith.sitofp %add3A_84 : i32 to f32
    %add3A_86 = vector.broadcast %convert_element_type3A_85 : f32 to vector<256x128xf32>
    %add3A_87 = arith.addf %convert_element_type3A_19, %add3A_86 : vector<256x128xf32>
    %lt3A_88 = arith.cmpf olt, %sub3A_80, %select_n3A_67 : vector<256x128xf32>
    %select_n3A_89 = arith.select %lt3A_88, %add3A_87, %select_n3A_66 : vector<256x128xi1>, vector<256x128xf32>
    %select_n3A_90 = arith.select %lt3A_88, %sub3A_80, %select_n3A_67 : vector<256x128xi1>, vector<256x128xf32>
    %get3A_91 = arith.constant 384 : index
    %get3A_92 = arith.constant 0 : index
    %get3A_93 = vector.load %arg5[%get3A_91, %get3A_92] : memref<512x64xf32, #tpu.memory_space<vmem>>, vector<128x64xf32>
    %dot_general3A_94 = arith.constant dense<0.000000e+00> : vector<256x128xf32>
    %dot_general3A_95 = tpu.matmul %get3A_12, %get3A_93, %dot_general3A_94 {dimension_numbers = #tpu.dot_dimension_numbers<[1], [1], [0], [0], [0, 0, 1, 0], [], []>, transpose_lhs_hint = false} : vector<256x64xf32>, vector<128x64xf32>, vector<256x128xf32> -> vector<256x128xf32>
    %slice3A_96 = vector.extract_strided_slice %get3A_18 {offsets = [0, 384], sizes = [1, 128], strides = [1, 1]} : vector<1x512xf32> to vector<1x128xf32>
    %add3A_97 = vector.broadcast %get3A_15 : vector<256x1xf32> to vector<256x128xf32>
    %add3A_98 = vector.broadcast %slice3A_96 : vector<1x128xf32> to vector<256x128xf32>
    %add3A_99 = arith.addf %add3A_97, %add3A_98 : vector<256x128xf32>
    %mul3A_100 = arith.constant 2.000000e+00 : f32
    %mul3A_101 = vector.broadcast %mul3A_100 : f32 to vector<256x128xf32>
    %mul3A_102 = arith.mulf %mul3A_101, %dot_general3A_95 : vector<256x128xf32>
    %sub3A_103 = arith.subf %add3A_99, %mul3A_102 : vector<256x128xf32>
    %mul3A_104 = arith.constant 512 : i32
    %mul3A_105 = arith.muli %arg1, %mul3A_104 : i32
    %add3A_106 = arith.constant 384 : i32
    %add3A_107 = arith.addi %mul3A_105, %add3A_106 : i32
    %convert_element_type3A_108 = arith.sitofp %add3A_107 : i32 to f32
    %add3A_109 = vector.broadcast %convert_element_type3A_108 : f32 to vector<256x128xf32>
    %add3A_110 = arith.addf %convert_element_type3A_19, %add3A_109 : vector<256x128xf32>
    %lt3A_111 = arith.cmpf olt, %sub3A_103, %select_n3A_90 : vector<256x128xf32>
    %select_n3A_112 = arith.select %lt3A_111, %add3A_110, %select_n3A_89 : vector<256x128xi1>, vector<256x128xf32>
    %select_n3A_113 = arith.select %lt3A_111, %sub3A_103, %select_n3A_90 : vector<256x128xi1>, vector<256x128xf32>
    %swap3A = arith.constant 0 : index
    %swap3A_114 = arith.constant 0 : index
    %swap3A_115 = vector.load %arg8[%swap3A, %swap3A_114] : memref<256x128xf32, #tpu.memory_space<vmem>>, vector<256x128xf32>
    tpu.vector_store %arg8[%swap3A, %swap3A_114], %select_n3A_113 {strides = array<i32>} : memref<256x128xf32, #tpu.memory_space<vmem>>, vector<256x128xf32>,
    %swap3A_116 = arith.constant 0 : index
    %swap3A_117 = arith.constant 0 : index
    %swap3A_118 = vector.load %arg9[%swap3A_116, %swap3A_117] : memref<256x128xf32, #tpu.memory_space<vmem>>, vector<256x128xf32>
    tpu.vector_store %arg9[%swap3A_116, %swap3A_117], %select_n3A_112 {strides = array<i32>} : memref<256x128xf32, #tpu.memory_space<vmem>>, vector<256x128xf32>,
    %jit3A_119 = arith.constant 8 : i32
    %eq3A_120 = arith.constant 0 : i32
    %eq3A_121 = arith.cmpi eq, %jit3A_119, %eq3A_120 : i32
    %jit3A_122 = arith.constant 1 : i32
    %select_n3A_123 = arith.select %eq3A_121, %jit3A_122, %jit3A_119 : i32
    %rem3A_124 = arith.remsi %arg1, %select_n3A_123 : i32
    %ne3A_125 = arith.constant 0 : i32
    %ne3A_126 = arith.cmpi ne, %rem3A_124, %ne3A_125 : i32
    %lt3A_127 = arith.constant 0 : i32
    %lt3A_128 = arith.cmpi slt, %rem3A_124, %lt3A_127 : i32
    %lt3A_129 = arith.constant 0 : i32
    %lt3A_130 = arith.cmpi slt, %select_n3A_123, %lt3A_129 : i32
    %ne3A_131 = arith.xori %lt3A_128, %lt3A_130 : i1
    %and3A_132 = arith.andi %ne3A_131, %ne3A_126 : i1
    %add3A_133 = arith.addi %rem3A_124, %select_n3A_123 : i32
    %select_n3A_134 = arith.select %and3A_132, %add3A_133, %rem3A_124 : i32
    %eq3A_135 = arith.constant 7 : i32
    %eq3A_136 = arith.cmpi eq, %select_n3A_134, %eq3A_135 : i32
    %convert_element_type3A_137 = arith.extui %eq3A_136 : i1 to i32
    %cond3A_138 = arith.constant 0 : i32
    %cond3A_139 = arith.cmpi ne, %convert_element_type3A_137, %cond3A_138 : i32
    scf.if %cond3A_139 {
      %reduce_min3A = arith.constant dense<0x7F800000> : vector<256xf32>
      %reduce_min3A_145 = vector.multi_reduction <minimumf>, %select_n3A_113, %reduce_min3A [1] : vector<256x128xf32> to vector<256xf32>
      %broadcast_in_dim3A = vector.shape_cast %reduce_min3A_145 : vector<256xf32> to vector<256x1xf32>
      %eq3A_146 = vector.broadcast %broadcast_in_dim3A : vector<256x1xf32> to vector<256x128xf32>
      %eq3A_147 = arith.cmpf oeq, %select_n3A_113, %eq3A_146 : vector<256x128xf32>
      %jit3A_148 = arith.constant 1.000000e+09 : f32
      %broadcast_in_dim3A_149 = vector.broadcast %jit3A_148 : f32 to vector<256x128xf32>
      %select_n3A_150 = arith.select %eq3A_147, %select_n3A_112, %broadcast_in_dim3A_149 : vector<256x128xi1>, vector<256x128xf32>
      %reduce_min3A_151 = arith.constant dense<0x7F800000> : vector<256xf32>
      %reduce_min3A_152 = vector.multi_reduction <minimumf>, %select_n3A_150, %reduce_min3A_151 [1] : vector<256x128xf32> to vector<256xf32>
      %broadcast_in_dim3A_153 = vector.shape_cast %reduce_min3A_152 : vector<256xf32> to vector<256x1xf32>
      %convert_element_type3A_154 = arith.truncf %broadcast_in_dim3A : vector<256x1xf32> to vector<256x1xbf16>
      %convert_element_type3A_155 = arith.extf %convert_element_type3A_154 : vector<256x1xbf16> to vector<256x1xf32>
      %eq3A_156 = arith.constant 7 : i32
      %eq3A_157 = arith.cmpi eq, %arg1, %eq3A_156 : i32
      %convert_element_type3A_158 = arith.extui %eq3A_157 : i1 to i32
      %cond3A_159 = arith.constant 0 : i32
      %cond3A_160 = arith.cmpi ne, %convert_element_type3A_158, %cond3A_159 : i32
      scf.if %cond3A_160 {
        %swap3A_165 = arith.constant 0 : index
        %swap3A_166 = arith.constant 0 : index
        %swap3A_167 = vector.load %arg10[%swap3A_165, %swap3A_166] : memref<256x1xf32, #tpu.memory_space<vmem>>, vector<256x1xf32>
        tpu.vector_store %arg10[%swap3A_165, %swap3A_166], %convert_element_type3A_155 {strides = array<i32>} : memref<256x1xf32, #tpu.memory_space<vmem>>, vector<256x1xf32>,
        %swap3A_168 = arith.constant 0 : index
        %swap3A_169 = arith.constant 0 : index
        %swap3A_170 = vector.load %arg11[%swap3A_168, %swap3A_169] : memref<256x1xf32, #tpu.memory_space<vmem>>, vector<256x1xf32>
        tpu.vector_store %arg11[%swap3A_168, %swap3A_169], %broadcast_in_dim3A_153 {strides = array<i32>} : memref<256x1xf32, #tpu.memory_space<vmem>>, vector<256x1xf32>,
        %swap3A_171 = arith.constant 0 : index
        %swap3A_172 = arith.constant 0 : index
        %swap3A_173 = vector.load %arg12[%swap3A_171, %swap3A_172] : memref<256x1xf32, #tpu.memory_space<vmem>>, vector<256x1xf32>
        tpu.vector_store %arg12[%swap3A_171, %swap3A_172], %broadcast_in_dim3A {strides = array<i32>} : memref<256x1xf32, #tpu.memory_space<vmem>>, vector<256x1xf32>,
      } else {
      }
      %gt3A = arith.constant 7 : i32
      %gt3A_161 = arith.cmpi sgt, %arg1, %gt3A : i32
      %convert_element_type3A_162 = arith.extui %gt3A_161 : i1 to i32
      %cond3A_163 = arith.constant 0 : i32
      %cond3A_164 = arith.cmpi ne, %convert_element_type3A_162, %cond3A_163 : i32
      scf.if %cond3A_164 {
        %get3A_165 = arith.constant 0 : index
        %get3A_166 = arith.constant 0 : index
        %get3A_167 = vector.load %arg10[%get3A_165, %get3A_166] : memref<256x1xf32, #tpu.memory_space<vmem>>, vector<256x1xf32>
        %lt3A_168 = arith.cmpf olt, %broadcast_in_dim3A, %get3A_167 : vector<256x1xf32>
        %get3A_169 = arith.constant 0 : index
        %get3A_170 = arith.constant 0 : index
        %get3A_171 = vector.load %arg10[%get3A_169, %get3A_170] : memref<256x1xf32, #tpu.memory_space<vmem>>, vector<256x1xf32>
        %select_n3A_172 = arith.select %lt3A_168, %convert_element_type3A_155, %get3A_171 : vector<256x1xi1>, vector<256x1xf32>
        %swap3A_173 = arith.constant 0 : index
        %swap3A_174 = arith.constant 0 : index
        %swap3A_175 = vector.load %arg10[%swap3A_173, %swap3A_174] : memref<256x1xf32, #tpu.memory_space<vmem>>, vector<256x1xf32>
        tpu.vector_store %arg10[%swap3A_173, %swap3A_174], %select_n3A_172 {strides = array<i32>} : memref<256x1xf32, #tpu.memory_space<vmem>>, vector<256x1xf32>,
        %get3A_176 = arith.constant 0 : index
        %get3A_177 = arith.constant 0 : index
        %get3A_178 = vector.load %arg11[%get3A_176, %get3A_177] : memref<256x1xf32, #tpu.memory_space<vmem>>, vector<256x1xf32>
        %select_n3A_179 = arith.select %lt3A_168, %broadcast_in_dim3A_153, %get3A_178 : vector<256x1xi1>, vector<256x1xf32>
        %swap3A_180 = arith.constant 0 : index
        %swap3A_181 = arith.constant 0 : index
        %swap3A_182 = vector.load %arg11[%swap3A_180, %swap3A_181] : memref<256x1xf32, #tpu.memory_space<vmem>>, vector<256x1xf32>
        tpu.vector_store %arg11[%swap3A_180, %swap3A_181], %select_n3A_179 {strides = array<i32>} : memref<256x1xf32, #tpu.memory_space<vmem>>, vector<256x1xf32>,
        %get3A_183 = arith.constant 0 : index
        %get3A_184 = arith.constant 0 : index
        %get3A_185 = vector.load %arg12[%get3A_183, %get3A_184] : memref<256x1xf32, #tpu.memory_space<vmem>>, vector<256x1xf32>
        %select_n3A_186 = arith.select %lt3A_168, %broadcast_in_dim3A, %get3A_185 : vector<256x1xi1>, vector<256x1xf32>
        %swap3A_187 = arith.constant 0 : index
        %swap3A_188 = arith.constant 0 : index
        %swap3A_189 = vector.load %arg12[%swap3A_187, %swap3A_188] : memref<256x1xf32, #tpu.memory_space<vmem>>, vector<256x1xf32>
        tpu.vector_store %arg12[%swap3A_187, %swap3A_188], %select_n3A_186 {strides = array<i32>} : memref<256x1xf32, #tpu.memory_space<vmem>>, vector<256x1xf32>,
      } else {
      }
    } else {
    }
    %eq3A_140 = arith.constant 15 : i32
    %eq3A_141 = arith.cmpi eq, %arg1, %eq3A_140 : i32
    %convert_element_type3A_142 = arith.extui %eq3A_141 : i1 to i32
    %cond3A_143 = arith.constant 0 : i32
    %cond3A_144 = arith.cmpi ne, %convert_element_type3A_142, %cond3A_143 : i32
    scf.if %cond3A_144 {
      %get3A_145 = arith.constant 0 : index
      %get3A_146 = arith.constant 0 : index
      %get3A_147 = vector.load %arg11[%get3A_145, %get3A_146] : memref<256x1xf32, #tpu.memory_space<vmem>>, vector<256x1xf32>
      %convert_element_type3A_148 = arith.fptosi %get3A_147 : vector<256x1xf32> to vector<256x1xi32>
      %swap3A_149 = arith.constant 0 : index
      %swap3A_150 = arith.constant 0 : index
      %swap3A_151 = vector.load %arg6[%swap3A_149, %swap3A_150] : memref<256x1xi32, #tpu.memory_space<vmem>>, vector<256x1xi32>
      tpu.vector_store %arg6[%swap3A_149, %swap3A_150], %convert_element_type3A_148 {strides = array<i32>} : memref<256x1xi32, #tpu.memory_space<vmem>>, vector<256x1xi32>,
      %get3A_152 = arith.constant 0 : index
      %get3A_153 = arith.constant 0 : index
      %get3A_154 = vector.load %arg12[%get3A_152, %get3A_153] : memref<256x1xf32, #tpu.memory_space<vmem>>, vector<256x1xf32>
      %reduce_sum3A = vector.shape_cast %get3A_154 : vector<256x1xf32> to vector<1x256x1xf32>
      %reduce_sum3A_155 = arith.constant dense<0.000000e+00> : vector<1xf32>
      %reduce_sum3A_156 = vector.multi_reduction <add>, %reduce_sum3A, %reduce_sum3A_155 [1, 2] : vector<1x256x1xf32> to vector<1xf32>
      %reduce_sum3A_157 = vector.shape_cast %reduce_sum3A_156 : vector<1xf32> to vector<1x1x1xf32>
      %reduce_sum3A_158 = vector.extract %reduce_sum3A_157[0, 0, 0] : f32 from vector<1x1x1xf32>
      %reshape3A = vector.broadcast %reduce_sum3A_158 : f32 to vector<1x1xf32>
      %eq3A_159 = arith.constant 0 : i32
      %eq3A_160 = arith.cmpi eq, %arg0, %eq3A_159 : i32
      %convert_element_type3A_161 = arith.extui %eq3A_160 : i1 to i32
      %cond3A_162 = arith.constant 0 : i32
      %cond3A_163 = arith.cmpi ne, %convert_element_type3A_161, %cond3A_162 : i32
      scf.if %cond3A_163 {
        %swap3A_168 = arith.constant 0 : index
        %swap3A_169 = arith.constant 0 : index
        %swap3A_170 = vector.load %arg7[%swap3A_168, %swap3A_169] : memref<1x1xf32, #tpu.memory_space<vmem>>, vector<1x1xf32>
        tpu.vector_store %arg7[%swap3A_168, %swap3A_169], %reshape3A {strides = array<i32>} : memref<1x1xf32, #tpu.memory_space<vmem>>, vector<1x1xf32>,
      } else {
      }
      %gt3A = arith.constant 0 : i32
      %gt3A_164 = arith.cmpi sgt, %arg0, %gt3A : i32
      %convert_element_type3A_165 = arith.extui %gt3A_164 : i1 to i32
      %cond3A_166 = arith.constant 0 : i32
      %cond3A_167 = arith.cmpi ne, %convert_element_type3A_165, %cond3A_166 : i32
      scf.if %cond3A_167 {
        %get3A_168 = arith.constant 0 : index
        %get3A_169 = arith.constant 0 : index
        %get3A_170 = vector.load %arg7[%get3A_168, %get3A_169] : memref<1x1xf32, #tpu.memory_space<vmem>>, vector<1x1xf32>
        %add3A_171 = arith.addf %get3A_170, %reshape3A : vector<1x1xf32>
        %swap3A_172 = arith.constant 0 : index
        %swap3A_173 = arith.constant 0 : index
        %swap3A_174 = vector.load %arg7[%swap3A_172, %swap3A_173] : memref<1x1xf32, #tpu.memory_space<vmem>>, vector<1x1xf32>
        tpu.vector_store %arg7[%swap3A_172, %swap3A_173], %add3A_171 {strides = array<i32>} : memref<1x1xf32, #tpu.memory_space<vmem>>, vector<1x1xf32>,
      } else {
      }
    } else {
    }
    return
  }
  func.func @transform_0(%arg0: i32, %arg1: i32) -> (i32, i32) {
    %c0_i32 = arith.constant 0 : i32
    %c0_i32_0 = arith.constant 0 : i32
    return %arg0, %c0_i32 : i32, i32
  }
  func.func @transform_1(%arg0: i32, %arg1: i32) -> (i32, i32) {
    %c0_i32 = arith.constant 0 : i32
    %c0_i32_0 = arith.constant 0 : i32
    return %c0_i32, %arg1 : i32, i32
  }
  func.func @transform_2(%arg0: i32, %arg1: i32) -> (i32, i32) {
    %c0_i32 = arith.constant 0 : i32
    %c0_i32_0 = arith.constant 0 : i32
    return %arg0, %c0_i32 : i32, i32
  }
  func.func @transform_3(%arg0: i32, %arg1: i32) -> (i32, i32) {
    %c0_i32 = arith.constant 0 : i32
    %c0_i32_0 = arith.constant 0 : i32
    return %arg1, %c0_i32 : i32, i32
  }
  func.func @transform_4(%arg0: i32, %arg1: i32) -> (i32, i32) {
    %c0_i32 = arith.constant 0 : i32
    %c0_i32_0 = arith.constant 0 : i32
    return %arg0, %c0_i32 : i32, i32
  }
  func.func @transform_5(%arg0: i32, %arg1: i32) -> (i32, i32) {
    %c0_i32 = arith.constant 0 : i32
    %c0_i32_0 = arith.constant 0 : i32
    %c0_i32_1 = arith.constant 0 : i32
    return %c0_i32, %c0_i32_0 : i32, i32
  }
}

</mosaic_0001>

<sc_bundles>
// kernel: kernel.4.cloned.1.call-start
scs
__scs_entry_jumppad:
0x0: {  	(pc) =	sbr.rel $0x88, $3  }
0x1: {  	(tag) =	ssettag $0x0;
	lr =	simm.s32 $0x1  }
0x2: {  	[smem:$0x3F9F] =	sst lr;
	_ =	strace $0xD0000000  }
0x3: {  	_ = 	snop  }
0x4: {  	_ = 	snop  }
0x5: {  	_ = 	snop  }
0x6: {  	_ = 	snop  }
0x7: {  	_ = 	snop  }
__scs_overlays_trampoline_lowered:
0x8: {  	[smem:$0x3FAE] =	sst s0  }
0x9: {  	[smem:$0x3FAF] =	sst s1  }
0xa: {  	[smem:$0x3FB0] =	sst s2  }
0xb: {  	[smem:$0x3FB1] =	sst s3  }
0xc: {  	[smem:$0x3FB2] =	sst s4  }
0xd: {  	[smem:$0x3FB3] =	sst s5  }
0xe: {  	[smem:$0x3FB4] =	sst s6  }
0xf: {  	[smem:$0x3FB5] =	sst s7  }
0x10: {  	[smem:$0x3FB6] =	sst s8  }
0x11: {  	[smem:$0x3FB7] =	sst s9;
	s0 =	simm.s32 @!p0 $0x0  }
0x12: {  	s1 =	sld [smem:$0x3F9D];
	s0 =	simm.s32 @p0 $0x1  }
0x13: {  	[smem:$0x3FB8] =	sst s0;
	s0 =	simm.s32 @!p1 $0x0  }
0x14: {  	s2 =	sld [smem:$0x3F9C];
	s0 =	simm.s32 @p1 $0x1  }
0x15: {  	[smem:$0x3FB9] =	sst s0;
	s0 =	simm.s32 @!p2 $0x0  }
0x16: {  	s3 =	sld [smem:$0x3FDB];
	s0 =	simm.s32 @p2 $0x1  }
0x17: {  	s4 =	simm.s32 $0x1BF5;
	[smem:$0x3FBB] =	sst s0  }
0x18: {  	s0 =	sld [smem:$0x3F9E];
	_ =	swait.ge [sflag:s4], $0x0  }
0x19: {  	s7 =	sld [smem:$0x3F9F]  }
0x1a: {  	s8 =	sadd.s32 $0xFFFFE003, lr  }
0x1b: {  	s9 =	sadd.s32 $0xFFFFFEF7, lr;
	s5 =	simm.s32 $0xFFFFFFFF;
	p2 =	slt.u32 s8, $0xFFFFF086  }
0x1c: {  	p1 =	slt.u32 s9, $0xF7A;
	s5 =	simm.s32 @!p2 $0x0  }
0x1d: {  	s5 =	simm.s32 @p1 $0x1;
	p0 =	seq.s32 s7, s2  }
0x1e: {  	s7 =	smul.u32 @!p0 $0xF7A, s2;
	p2 =	seq.s32 @!p0 s5, $0x0  }
0x1f: {  	s9 =	smul.u32 $0xF7A, s1;
	s8 =	simm.s32 @!p0 $0x1BF5;
	p2 =	por !p2, p0  }
0x20: {  	[sflag:s8] =	ssyncset.s32 @!p0 $0xFFFFF086;
	s6 =	sadd.s32 @!p0 s3, s7;
	s7 =	simm.s32 @!p0 $0x108  }
0x21: {  	s3 =	sadd.s32 s3, s9;
	s6 =	sadd.s32 @!p0 $0x88, s6;
	s7 =	simm.s32 @p2 $0x1082  }
0x22: {  	[simem:s7], [sflag:s8] =	dma.local @!p0 [hbm:s6], $0xF7A  }
0x23: {  	s9 =	sor.u32 $0xD0000000, s2;
	s6 =	simm.s32 $0x108;
	_ =	swait.ge @!p0 [sflag:s8], $0x0  }
0x24: {  	s3 =	sadd.s32 $0x88, s3;
	s6 =	simm.s32 @!p1 $0x1082;
	[sflag:s4] =	ssyncset.s32 $0xFFFFF086  }
0x25: {  	[simem:s6], [sflag:s4] =	dma.local [hbm:s3], $0xF7A  }
0x26: {  	[smem:$0x3F9F] =	sst s1;
	(tag) =	ssettag s2;
	_ =	strace s9  }
0x27: {  	s1 =	sld [smem:$0x3FAF]  }
0x28: {  	s2 =	sld [smem:$0x3FB0]  }
0x29: {  	s4 =	sld [smem:$0x3FB2]  }
0x2a: {  	p0 =	seq.s32 s5, $0x0;
	s5 =	sld [smem:$0x3FB3]  }
0x2b: {  	s6 =	sld [smem:$0x3FB4]  }
0x2c: {  	s7 =	sld [smem:$0x3FB5]  }
0x2d: {  	s3 =	simm.s32 $0x108;
	s8 =	sld [smem:$0x3FB6]  }
0x2e: {  	s3 =	simm.s32 @!p0 $0x1082;
	s9 =	sld [smem:$0x3FB7]  }
0x2f: {  	lr =	sadd.s32 s0, s3;
	s0 =	sld [smem:$0x3FAE]  }
0x30: {  	s3 =	sld [smem:$0x3FB1]  }
0x31: {  	[smem:$0x3FBA] =	sst s10  }
0x32: {  	s10 =	sld [smem:$0x3FB8];
	_ =	sdelay $0x3  }
0x33: {  	p0 =	seq.s32 s10, $0x1;
	s10 =	sld [smem:$0x3FBA];
	_ =	sdelay $0x3  }
0x34: {  	[smem:$0x3FBA] =	sst s10  }
0x35: {  	s10 =	sld [smem:$0x3FB9];
	_ =	sdelay $0x3  }
0x36: {  	p1 =	seq.s32 s10, $0x1;
	s10 =	sld [smem:$0x3FBA];
	_ =	sdelay $0x3  }
0x37: {  	[smem:$0x3FBA] =	sst s10  }
0x38: {  	s10 =	sld [smem:$0x3FBB]  }
0x39: {  	_ = 	snop;
	(pc) =	sbr.ind lr, $3  }
0x3a: {  	_ = 	snop  }
0x3b: {  	_ = 	snop  }
0x3c: {  	p2 =	seq.s32 s10, $0x1;
	s10 =	sld [smem:$0x3FBA]  }
0x3d: {  	_ =	shalt  }
0x3e: {  	_ =	shalt  }
0x3f: {  	_ =	shalt  }
0x40: {  	_ =	shalt  }
0x41: {  	_ =	shalt  }
0x42: {  	_ =	shalt  }
0x43: {  	_ =	shalt  }
0x44: {  	_ =	shalt  }
0x45: {  	_ =	shalt  }
0x46: {  	_ =	shalt  }
0x47: {  	_ =	shalt  }
0x48: {  	_ =	shalt  }
0x49: {  	_ =	shalt  }
0x4a: {  	_ =	shalt  }
0x4b: {  	_ =	shalt  }
0x4c: {  	_ =	shalt  }
0x4d: {  	_ =	shalt  }
0x4e: {  	_ =	shalt  }
0x4f: {  	_ =	shalt  }
0x50: {  	_ =	shalt  }
0x51: {  	_ =	shalt  }
0x52: {  	_ =	shalt  }
0x53: {  	_ =	shalt  }
0x54: {  	_ =	shalt  }
0x55: {  	_ =	shalt  }
0x56: {  	_ =	shalt  }
0x57: {  	_ =	shalt  }
0x58: {  	_ =	shalt  }
0x59: {  	_ =	shalt  }
0x5a: {  	_ =	shalt  }
0x5b: {  	_ =	shalt  }
0x5c: {  	_ =	shalt  }
0x5d: {  	_ =	shalt  }
0x5e: {  	_ =	shalt  }
0x5f: {  	_ =	shalt  }
0x60: {  	_ =	shalt  }
0x61: {  	_ =	shalt  }
0x62: {  	_ =	shalt  }
0x63: {  	_ =	shalt  }
0x64: {  	_ =	shalt  }
0x65: {  	_ =	shalt  }
0x66: {  	_ =	shalt  }
0x67: {  	_ =	shalt  }
0x68: {  	_ =	shalt  }
0x69: {  	_ =	shalt  }
0x6a: {  	_ =	shalt  }
0x6b: {  	_ =	shalt  }
0x6c: {  	_ =	shalt  }
0x6d: {  	_ =	shalt  }
0x6e: {  	_ =	shalt  }
0x6f: {  	_ =	shalt  }
0x70: {  	_ =	shalt  }
0x71: {  	_ =	shalt  }
0x72: {  	_ =	shalt  }
0x73: {  	_ =	shalt  }
0x74: {  	_ =	shalt  }
0x75: {  	_ =	shalt  }
0x76: {  	_ =	shalt  }
0x77: {  	_ =	shalt  }
0x78: {  	_ =	shalt  }
0x79: {  	_ =	shalt  }
0x7a: {  	_ =	shalt  }
0x7b: {  	_ =	shalt  }
0x7c: {  	_ =	shalt  }
0x7d: {  	_ =	shalt  }
0x7e: {  	_ =	shalt  }
0x7f: {  	_ =	shalt  }
0x80: {  	_ =	shalt  }
0x81: {  	_ =	shalt  }
0x82: {  	_ =	shalt  }
0x83: {  	_ =	shalt  }
0x84: {  	_ =	shalt  }
0x85: {  	_ =	shalt  }
0x86: {  	_ =	shalt  }
0x87: {  	_ =	shalt  }
.Lfunc_end0:
.L_simem_size_0:
called_computation_lowered:
.L_overlay_start_0:
0x88: {  	s2 =	sld [smem:$0x3FD9]  }
0x89: {  	s3 =	sld [smem:$0x3FFE];
	_ =	sdelay $0x1  }
0x8a: {  	s1 =	srdreg.scid  }
0x8b: {  	s0 =	sand.u32 $0x1, s1  }
0x8c: {  	s14 =	sshll.u32 s0, $0xA;
	s2 =	sadd.s32 s3, s2  }
0x8d: {  	s2 =	sadd.s32 s2, s14  }
0x8e: {  	[smem:$0x3FC6] =	sst s2  }
0x8f: {  	_ = 	snop  }
0x90: {  	s2 =	sld [smem:$0x3FD0];
	_ =	sdelay $0x2  }
0x91: {  	s15 =	simm.s32 $0xA;
	s4 =	simm.s32 $0x10  }
0x92: {  	[smem:s4], [sflag:s15] =	dma.local [hbm:s2], $0x1  }
0x93: {  	_ =	swait.eq [sflag:s15], $0x1  }
0x94: {  	[sflag:s15] =	ssyncset.done $0x0  }
0x95: {  	s16 =	sld [smem:$0x10];
	[sflag:s15] =	ssyncadd.s32 $0xFFFFFFFF  }
0x96: {  	s17 =	sld [smem:$0x12];
	(tm) =	ssettm $0x1  }
0x97: {  	s18 =	sld [smem:$0x3FFB];
	_ =	sdelay $0x3  }
0x98: {  	_ =	strace s18  }
0x99: {  	s4 =	sld [smem:$0x3FFC];
	_ =	sdelay $0x3  }
0x9a: {  	_ =	strace s4  }
0x9b: {  	s4 =	sld [smem:$0x3FFD];
	_ =	sdelay $0x3  }
0x9c: {  	_ =	strace s4  }
0x9d: {  	_ =	strace $0x8FFFFFFF  }
0x9e: {  	s19 =	sld [smem:$0x3FDB];
	_ =	sdelay $0x1  }
0x9f: {  	s5 =	simm.s32 $_scs_section_size  }
0xa0: {  	s6 =	simm.s32 $_size__tile_overlayer_lowered;
	s7 =	simm.s32 $_tile_overlayer_lowered  }
0xa1: {  	s22 =	simm.s32 $0x1BFF;
	s21 =	sshll.u32 s7, $0x1;
	s4 =	sadd.s32 s5, s19  }
0xa2: {  	s8 =	simm.s32 $0x0;
	s20 =	sshll.u32 s6, $0x1;
	s6 =	sadd.s32 s21, s4  }
0xa3: {  	[timem:s8], [sflag:s22] =	dma.local [hbm:s6], s20  }
0xa4: {  	_ =	swait.ge [sflag:s22], s20  }
0xa5: {  	s5 =	ssub.s32 $0x0, s20;
	[sflag:s22] =	ssyncset.done $0x0  }
0xa6: {  	[sflag:s22] =	ssyncadd.s32 s5;
	_ =	sdelay $0x1  }
0xa7: {  	s23 =	simm.s32 $0x1B8B  }
0xa8: {  	_ =	swait.ge [sflag:s23], $0x1  }
0xa9: {  	[sflag:s23] =	ssyncset.done $0x0  }
0xaa: {  	s25 =	simm.s32 $0x1B8E;
	s24 =	sld [smem:$0x3FFE];
	[sflag:s23] =	ssyncadd.s32 $0xFFFFFFFF  }
0xab: {  	s26 =	simm.s32 $execute0_lowered;
	[smem:$0x3FD2] =	sst s25  }
0xac: {  	s6 =	sshll.u32 s26, $0x1;
	_ =	strace $0x80000046;
	[dreg:$0x1] =	wrdreg $0xFFFFFFFF  }
0xad: {  	s28 =	simm.s32 $_size_execute0_lowered;
	s4 =	sadd.s32 s4, s6;
	[dreg:$0x0] =	wrdreg $0x0  }
0xae: {  	s6 =	sshll.u32 s28, $0x1;
	[dreg:$0x2] =	wrdreg s4  }
0xaf: {  	[dreg:$0x3] =	wrdreg s6  }
0xb0: {  	[dreg:$0x4] =	wrdreg $0xC0  }
0xb1: {  	_ =	task [dreg:s8], $0x5FFFF  }
0xb2: {  	[dreg:$0x1] =	wrdreg $0xFFFFFFFF  }
0xb3: {  	[dreg:$0x0] =	wrdreg $0x60  }
0xb4: {  	[dreg:$0x2] =	wrdreg s16  }
0xb5: {  	[dreg:$0x3] =	wrdreg s17  }
0xb6: {  	[dreg:$0x4] =	wrdreg s24  }
0xb7: {  	[dreg:$0x5] =	wrdreg $0x9  }
0xb8: {  	_ =	task.clear_ibuf [dreg:s8], $0x6FFFF;
	_ =	strace $0x90000046  }
0xb9: {  	s29 =	simm.s32 $0x9;
	_ =	strace $0x80000048  }
0xba: {  	_ =	swait.ge [sflag:s29], $0x1  }
0xbb: {  	[sflag:s29] =	ssyncadd.s32 $0xFFFFFFFF  }
0xbc: {  	_ =	strace $0x90000048  }
0xbd: {  	_ =	sfence  }
0xbe: {  	s30 =	sld [smem:$0x0];
	_ =	sdelay $0x2  }
0xbf: {  	s31 =	sshll.u32 s1, $0xD;
	s1 =	sshrl.u32 s1, $0x2  }
0xc0: {  	s3 =	sand.u32 $0x4000, s31;
	s1 =	sadd.s32 s1, s30  }
0xc1: {  	s0 =	sor.u32 s3, s0;
	s1 =	sshll.u32 s1, $0x11  }
0xc2: {  	s0 =	sor.u32 s1, s0  }
0xc3: {  	s0 =	sadd.s32 $0x8F2B, s0  }
0xc4: {  	[sflag:s0] =	ssyncadd.remote.s32 $0x1  }
0xc5: {  	_ =	sfence.sel $0xFFFF  }
0xc6: {  	[dreg:$0x0] =	wrdreg $0xFFFFFFFF;
	(pc) =	sbr.abs _section_cstart, $3  }
0xc7: {  	[dreg:$0x1] =	wrdreg $0xFFFFFFFF  }
0xc8: {  	_ =	task.clear_ibuf [dreg:s8], $0x2FFFF;
	_ =	strace $0x9FFFFFFF  }
0xc9: {  	(tm) =	ssettm $0x7FFFFFFF  }
tec
execute0_lowered:
.L_overlay_start_1:
0x0: {  	(tag) =	ssettag $0x1  }
0x1: {  	s1 =	rddreg [dreg:$0x0]  }
0x2: {  	s2 =	srdreg.scid;
	s4 =	rddreg [dreg:$0x1]  }
0x3: {  	s0 =	stileid.u32;
	s8 =	rddreg [dreg:$0x2];
	s6 =	sand.u32 $0x1, s2  }
0x4: {  	s3 =	simm.s32 $0x0;
	s5 =	sshll.u32 s0, $0x9;
	s7 =	sshll.u32 s6, $0x8  }
0x5: {  	[smem:$0x7FF] =	sst s3;
	s9 =	sor.u32 s7, s5  }
0x6: {  	s2 =	rddreg [dreg:$0x3];
	_ =	strace $0x80000047;
	s5 =	sshrl.u32 s9, $0x3  }
0x7: {  	s10 =	ssub.s32 $0x2, s6;
	s5 =	sadd.s32 s4, s5;
	s4 =	simm.s32 $0x2  }
0x8: {  	[tilespmem:s3], [sflag:$0x2] =	stream.linear.gather [hbm4b:s5+s3], $0x100, $0x38;
	[tilespmem:$0x8100] =	vst v63  }
0x9: {  	s11 =	sshrl.u32 s10, $0x1;
	_ =	swait.ge [sflag:s4], $0x100  }
0xa: {  	s6 =	simm.s32 $0x100;
	s10 =	ssub.s32 s10, s11;
	[sflag:s4] =	ssyncset.done $0x0  }
0xb: {  	s7 =	simm.s32 $0x1;
	s31 =	smax.u32 s10, $0x1;
	[sflag:s4] =	ssyncadd.s32 $0xFFFFFF00  }
0xc: {  	[tilespmem:s6], [sflag:$0x1] =	stream.indirect.gather [hbm4b:s1+s6], $0x80, s3, s6, $0xb8;
	[tilespmem:$0x8100] =	vst v63  }
0xd: {  	p0 =	sne.s32 s31, $0x1;
	_ =	swait.ge [sflag:s7], $0x8000  }
.Ltmp0:
0xe: {  	s9 =	sshll.u32 s9, $0x4;
	[sflag:s7] =	ssyncset.done $0x0;
	(pc) =	sbr.rel @!p0 .LBB2_2-.Ltmp0, $4  }
0xf: {  	s8 =	sadd.s32 s8, s9;
	[sflag:s7] =	ssyncadd.s32 $0xFFFF8000  }
0x10: {  	[hbm4b:s8+s3] =	stream.linear.scatter [tilespmem:s6], [sflag:$0x2], $0x8000, $0x38;
	[tilespmem:$0x8100] =	vst v63  }
0x11: {  	_ =	swait.ge [sflag:s4], $0x8000  }
0x12: {  	s9 =	sadd.s32 $0xFFFFFFFF, s31;
	[sflag:s4] =	ssyncset.done $0x0  }
.LBB2_1:
0x13: {  	p0 =	sne.s32 s9, $0x1;
	s9 =	sadd.s32 $0xFFFFFFFF, s9;
	[sflag:s4] =	ssyncadd.s32 $0xFFFF8000  }
0x14: {  	[tilespmem:s3], [sflag:$0x2] =	stream.linear.gather [hbm4b:s5+s3], $0x100, $0x38;
	[tilespmem:$0x8100] =	vst v63  }
0x15: {  	_ =	swait.ge [sflag:s4], $0x100  }
0x16: {  	[sflag:s4] =	ssyncset.done $0x0  }
0x17: {  	[sflag:s4] =	ssyncadd.s32 $0xFFFFFF00  }
0x18: {  	[tilespmem:s6], [sflag:$0x1] =	stream.indirect.gather [hbm4b:s1+s6], $0x80, s3, s6, $0xb8;
	[tilespmem:$0x8100] =	vst v63  }
0x19: {  	_ =	swait.ge [sflag:s7], $0x8000  }
.Ltmp1:
0x1a: {  	[sflag:s7] =	ssyncset.done $0x0;
	(pc) =	sbr.rel @p0 .LBB2_1-.Ltmp1, $4  }
0x1b: {  	[sflag:s7] =	ssyncadd.s32 $0xFFFF8000  }
0x1c: {  	[hbm4b:s8+s3] =	stream.linear.scatter [tilespmem:s6], [sflag:$0x2], $0x8000, $0x38;
	[tilespmem:$0x8100] =	vst v63  }
0x1d: {  	_ =	swait.ge [sflag:s4], $0x8000  }
0x1e: {  	[sflag:s4] =	ssyncset.done $0x0  }
.LBB2_2:
0x1f: {  	[sflag:s4] =	ssyncadd.s32 $0xFFFF8000  }
0x20: {  	_ =	sfence.sel $0x180000  }
0x21: {  	[bflag:$0x0] =	sbarrier.arrive $0xFFFF  }
0x22: {  	p0 =	sne.s32 s0, $0x0;
	_ =	strace $0x90000047  }
0x23: {  	s0 =	sadd.s32 @!p0 $0x100000, s2;
	[bflag:$0x2] =	sbarrier.arrive $0xFFFF  }
0x24: {  	[sflag:s0] =	ssyncadd.tile.s32 @!p0 $0x1;
	_ =	shalt  }
.Lfunc_end2:
_tile_overlayer_lowered:
.L_overlay_start_2:
0x25: {  	(tag) =	ssettag $0x2  }
0x26: {  	s0 =	rddreg [dreg:$0x0];
	s2 =	stileid.u32  }
0x27: {  	s1 =	rddreg [dreg:$0x1];
	p0 =	sne.s32 s2, $0x0  }
0x28: {  	s3 =	rddreg [dreg:$0x2];
	[bflag:$0x3] =	sbarrier.arrive $0xFFFF;
	s2 =	simm.s32 @!p0 $0x1C02  }
0x29: {  	[timem:s3], [sflag:s2] =	dma.local @!p0 [hbm:s0], s1  }
0x2a: {  	s0 =	simm.s32 @!p0 $0x2  }
0x2b: {  	_ =	swait.ge @!p0 [sflag:s0], s1  }
0x2c: {  	s1 =	ssub.s32 @!p0 $0x0, s1;
	[sflag:s0] =	ssyncset.done @!p0 $0x0  }
0x2d: {  	[sflag:s0] =	ssyncadd.s32 @!p0 s1  }
0x2e: {  	[bflag:$0x3] =	sbarrier.arrive $0xFFFF  }
0x2f: {  	_ =	shalt  }

</sc_bundles>
